<compile_context>
chip_gen: v7x
topology: tpu7x:2x2x1
jax: 0.10.2.dev20260603
libtpu: 0.0.44.dev20260713+nightly
codegen_flags: <defaults>
</compile_context>

<pallas_src>
import functools

import jax
import jax.numpy as jnp
from jax import lax
from jax.experimental import pallas as pl
from jax.experimental.pallas import tpu as pltpu
from jax.experimental.pallas import tpu_sc as plsc

WIDTH = 1024
BATCH = 4
SEQ = 8192
_NC = 2
_NS = 16
_NW = _NC * _NS
_B = BATCH * SEQ
_B_PER_W = _B // _NW
_CH = 32
_N_CHUNKS = _B_PER_W // _CH
_NBUF = 3
_W_PER_ROW = SEQ // _B_PER_W

_mesh = plsc.VectorSubcoreMesh(core_axis_name="c", subcore_axis_name="s")


@functools.partial(
    pl.kernel,
    mesh=_mesh,
    out_type=jax.ShapeDtypeStruct((_B, WIDTH), jnp.float32),
    scratch_types=[
        pltpu.VMEM((_B_PER_W,), jnp.int32),
        pltpu.VMEM((_NBUF, _CH, WIDTH), jnp.float32),
        pltpu.SemaphoreType.DMA,
        pltpu.SemaphoreType.DMA,
    ],
)
def _emb(idx_hbm, table_hbm, out_hbm, idx_v, rows_v, sem_g, sem_w):
    wid = lax.axis_index("s") * _NC + lax.axis_index("c")
    base = wid * _B_PER_W
    row = wid // _W_PER_ROW
    col = (wid % _W_PER_ROW) * _B_PER_W
    pltpu.sync_copy(idx_hbm.at[row, pl.ds(col, _B_PER_W)], idx_v)

    def gather(c, slot):
        return pltpu.make_async_copy(
            table_hbm.at[idx_v.at[pl.ds(c * _CH, _CH)]], rows_v.at[slot], sem_g)

    def write(c, slot):
        return pltpu.make_async_copy(
            rows_v.at[slot], out_hbm.at[pl.ds(base + c * _CH, _CH)], sem_w)

    for c in range(_NBUF - 1):
        gather(c, c).start()

    def body(c, carry):
        slot = lax.rem(c, _NBUF)
        gather(c, slot).wait()
        write(c, slot).start()

        @pl.when(c >= 1)
        def _():
            write(c - 1, lax.rem(c - 1, _NBUF)).wait()

        @pl.when(c + _NBUF - 1 < _N_CHUNKS)
        def _():
            gather(c + _NBUF - 1, lax.rem(c + _NBUF - 1, _NBUF)).start()

        return carry

    lax.fori_loop(0, _N_CHUNKS, body, 0)
    write(_N_CHUNKS - 1, lax.rem(_N_CHUNKS - 1, _NBUF)).wait()


def kernel(pos_id, pe):
    out = _emb(pos_id.astype(jnp.int32), pe)
    return out.reshape(pos_id.shape + (WIDTH,))

# --- scband reference (transcript-rebuilt; emitter-appended) ---
"""Pipeline reference for scband-learned-embedding-2748779069676 (READ-ONLY COPY).

The authoritative reference and input builder live on the scoring server;
editing this copy changes nothing except your own understanding.
"""

import jax, jax.numpy as jnp
import numpy as np

WIDTH = 1024
MAX_LEN = 8192
BATCH = 4
SEQ = 8192

def setup_inputs(seed: int = 0) -> dict:
    key = jax.random.key(seed)
    k1, k2 = jax.random.split(key)
    pos_id = jax.random.randint(k1, (BATCH, SEQ), 0, MAX_LEN, dtype=jnp.int64 if jax.config.jax_enable_x64 else jnp.int32)
    pe = jax.random.normal(k2, (MAX_LEN, WIDTH), dtype=jnp.float32)
    return {"pos_id": pos_id, "pe": pe}

def reference(pos_id, pe):
    # nn.Embedding lookup: gather rows of the learned table by position id
    return jnp.take(pe, pos_id, axis=0)

if __name__ == "__main__":
    import jax
    _d = setup_inputs()
    print(jax.jit(kernel)(*tuple(_d.values())))

</pallas_src>

<mosaic_0001>
#map = affine_map<(d0, d1) -> (0, 0)>
module attributes {stable_mosaic.version = 14 : i64} {
  func.func @_emb(%arg0: i32, %arg1: i32, %arg2: memref<4x8192xi32, #tpu.memory_space<hbm>>, %arg3: memref<8192x1024xf32, #tpu.memory_space<hbm>>, %arg4: memref<32768x1024xf32, #tpu.memory_space<hbm>>, %arg5: memref<1024xi32, #tpu.memory_space<vmem>>, %arg6: memref<3x32x1024xf32, #tpu.memory_space<vmem>>, %arg7: memref<!tpu.dma_semaphore, #tpu.memory_space<semaphore_mem>>, %arg8: memref<!tpu.dma_semaphore, #tpu.memory_space<semaphore_mem>>) attributes {dimension_semantics = [#tpu.dimension_semantics<core_parallel>, #tpu.dimension_semantics<subcore_parallel>], iteration_bounds = array<i64: 2, 16>, scalar_prefetch = 0 : i64, scratch_operands = 4 : i64, tpu.core_type = #tpu.core_type<sc_vector_subcore>, window_params = [{transform_indices = #map}, {transform_indices = #map}, {transform_indices = #map}]} {
    %mul3A = arith.constant 2 : i32
    %mul3A_0 = arith.muli %arg1, %mul3A : i32
    %add3A = arith.addi %mul3A_0, %arg0 : i32
    %mul3A_1 = arith.constant 1024 : i32
    %mul3A_2 = arith.muli %add3A, %mul3A_1 : i32
    %jit3A = arith.constant 8 : i32
    %div3A = arith.divsi %add3A, %jit3A : i32
    %sign3A = arith.constant 0 : i32
    %sign3A_3 = arith.cmpi sgt, %add3A, %sign3A : i32
    %sign3A_4 = arith.extui %sign3A_3 : i1 to i32
    %sign3A_5 = arith.constant 0 : i32
    %sign3A_6 = arith.cmpi slt, %add3A, %sign3A_5 : i32
    %sign3A_7 = arith.extui %sign3A_6 : i1 to i32
    %sign3A_8 = arith.subi %sign3A_4, %sign3A_7 : i32
    %sign3A_9 = arith.constant 0 : i32
    %sign3A_10 = arith.cmpi sgt, %jit3A, %sign3A_9 : i32
    %sign3A_11 = arith.extui %sign3A_10 : i1 to i32
    %sign3A_12 = arith.constant 0 : i32
    %sign3A_13 = arith.cmpi slt, %jit3A, %sign3A_12 : i32
    %sign3A_14 = arith.extui %sign3A_13 : i1 to i32
    %sign3A_15 = arith.subi %sign3A_11, %sign3A_14 : i32
    %ne3A = arith.cmpi ne, %sign3A_8, %sign3A_15 : i32
    %rem3A = arith.remsi %add3A, %jit3A : i32
    %ne3A_16 = arith.constant 0 : i32
    %ne3A_17 = arith.cmpi ne, %rem3A, %ne3A_16 : i32
    %and3A = arith.andi %ne3A, %ne3A_17 : i1
    %sub3A = arith.constant 1 : i32
    %sub3A_18 = arith.subi %div3A, %sub3A : i32
    %select_n3A = arith.select %and3A, %sub3A_18, %div3A : i32
    %jit3A_19 = arith.constant 8 : i32
    %eq3A = arith.constant 0 : i32
    %eq3A_20 = arith.cmpi eq, %jit3A_19, %eq3A : i32
    %jit3A_21 = arith.constant 1 : i32
    %select_n3A_22 = arith.select %eq3A_20, %jit3A_21, %jit3A_19 : i32
    %rem3A_23 = arith.remsi %add3A, %select_n3A_22 : i32
    %ne3A_24 = arith.constant 0 : i32
    %ne3A_25 = arith.cmpi ne, %rem3A_23, %ne3A_24 : i32
    %lt3A = arith.constant 0 : i32
    %lt3A_26 = arith.cmpi slt, %rem3A_23, %lt3A : i32
    %lt3A_27 = arith.constant 0 : i32
    %lt3A_28 = arith.cmpi slt, %select_n3A_22, %lt3A_27 : i32
    %ne3A_29 = arith.xori %lt3A_26, %lt3A_28 : i1
    %and3A_30 = arith.andi %ne3A_29, %ne3A_25 : i1
    %add3A_31 = arith.addi %rem3A_23, %select_n3A_22 : i32
    %select_n3A_32 = arith.select %and3A_30, %add3A_31, %rem3A_23 : i32
    %mul3A_33 = arith.constant 1024 : i32
    %mul3A_34 = arith.muli %select_n3A_32, %mul3A_33 : i32
    "tpu.region"() ({
      %run_scoped3A = tpu.sem_alloc : memref<!tpu.dma_semaphore, #tpu.memory_space<semaphore_mem>>
      %dma_start3A_75 = tpu.memref_slice %arg2[%select_n3A, %mul3A_34] : memref<4x8192xi32, #tpu.memory_space<hbm>> -> memref<1x1024xi32, #tpu.memory_space<hbm>>
      %dma_start3A_76 = tpu.memref_squeeze %dma_start3A_75 : memref<1x1024xi32, #tpu.memory_space<hbm>> -> memref<1024xi32, #tpu.memory_space<hbm>>
      %dma_start3A_77 = tpu.memref_slice %arg2[%select_n3A, %mul3A_34] : memref<4x8192xi32, #tpu.memory_space<hbm>> -> memref<1x1024xi32, #tpu.memory_space<hbm>>
      %dma_start3A_78 = tpu.memref_squeeze %dma_start3A_77 : memref<1x1024xi32, #tpu.memory_space<hbm>> -> memref<1024xi32, #tpu.memory_space<hbm>>
      tpu.enqueue_dma source(%dma_start3A_78 : memref<1024xi32, #tpu.memory_space<hbm>>) target(%arg5 : memref<1024xi32, #tpu.memory_space<vmem>>) target_semaphore(%run_scoped3A : memref<!tpu.dma_semaphore, #tpu.memory_space<semaphore_mem>>)
      %dma_wait3A_79 = tpu.memref_slice %arg2[%select_n3A, %mul3A_34] : memref<4x8192xi32, #tpu.memory_space<hbm>> -> memref<1x1024xi32, #tpu.memory_space<hbm>>
      %dma_wait3A_80 = tpu.memref_squeeze %dma_wait3A_79 : memref<1x1024xi32, #tpu.memory_space<hbm>> -> memref<1024xi32, #tpu.memory_space<hbm>>
      %dma_wait3A_81 = tpu.memref_slice %arg2[%select_n3A, %mul3A_34] : memref<4x8192xi32, #tpu.memory_space<hbm>> -> memref<1x1024xi32, #tpu.memory_space<hbm>>
      %dma_wait3A_82 = tpu.memref_squeeze %dma_wait3A_81 : memref<1x1024xi32, #tpu.memory_space<hbm>> -> memref<1024xi32, #tpu.memory_space<hbm>>
      tpu.wait_dma2 semaphore(%run_scoped3A : memref<!tpu.dma_semaphore, #tpu.memory_space<semaphore_mem>>) src(%dma_wait3A_82 : memref<1024xi32, #tpu.memory_space<hbm>>) dst(%arg5 : memref<1024xi32, #tpu.memory_space<vmem>>)
      tpu.yield
    }) : () -> ()
    %dma_start3A = arith.constant 0 : i32
    %dma_start3A_35 = arith.constant 0 : i32
    %dma_start3A_36 = arith.constant 0 : i32
    %dma_start3A_37 = tpu.memref_slice %arg6[%dma_start3A, %dma_start3A_35, %dma_start3A_36] : memref<3x32x1024xf32, #tpu.memory_space<vmem>> -> memref<1x32x1024xf32, #tpu.memory_space<vmem>>
    %dma_start3A_38 = tpu.memref_squeeze %dma_start3A_37 : memref<1x32x1024xf32, #tpu.memory_space<vmem>> -> memref<32x1024xf32, #tpu.memory_space<vmem>>
    %dma_start3A_39 = arith.constant 0 : i32
    %dma_start3A_40 = tpu.memref_slice %arg5[%dma_start3A_39] : memref<1024xi32, #tpu.memory_space<vmem>> -> memref<32xi32, #tpu.memory_space<vmem>>
    %dma_start3A_41 = arith.constant 0 : i32
    %dma_start3A_42 = arith.constant 0 : i32
    %dma_start3A_43 = tpu.memref_slice %arg3[%dma_start3A_41, %dma_start3A_42] : memref<8192x1024xf32, #tpu.memory_space<hbm>> -> memref<8192x1024xf32, #tpu.memory_space<hbm>>
    tpu.enqueue_indirect_dma source(%dma_start3A_43 : memref<8192x1024xf32, #tpu.memory_space<hbm>>) target(%dma_start3A_38 : memref<32x1024xf32, #tpu.memory_space<vmem>>) offsets(%dma_start3A_40 : memref<32xi32, #tpu.memory_space<vmem>>) semaphore(%arg7 : memref<!tpu.dma_semaphore, #tpu.memory_space<semaphore_mem>>)
    %dma_start3A_44 = arith.constant 1 : i32
    %dma_start3A_45 = arith.constant 0 : i32
    %dma_start3A_46 = arith.constant 0 : i32
    %dma_start3A_47 = tpu.memref_slice %arg6[%dma_start3A_44, %dma_start3A_45, %dma_start3A_46] : memref<3x32x1024xf32, #tpu.memory_space<vmem>> -> memref<1x32x1024xf32, #tpu.memory_space<vmem>>
    %dma_start3A_48 = tpu.memref_squeeze %dma_start3A_47 : memref<1x32x1024xf32, #tpu.memory_space<vmem>> -> memref<32x1024xf32, #tpu.memory_space<vmem>>
    %dma_start3A_49 = arith.constant 32 : i32
    %dma_start3A_50 = tpu.memref_slice %arg5[%dma_start3A_49] : memref<1024xi32, #tpu.memory_space<vmem>> -> memref<32xi32, #tpu.memory_space<vmem>>
    %dma_start3A_51 = arith.constant 0 : i32
    %dma_start3A_52 = arith.constant 0 : i32
    %dma_start3A_53 = tpu.memref_slice %arg3[%dma_start3A_51, %dma_start3A_52] : memref<8192x1024xf32, #tpu.memory_space<hbm>> -> memref<8192x1024xf32, #tpu.memory_space<hbm>>
    tpu.enqueue_indirect_dma source(%dma_start3A_53 : memref<8192x1024xf32, #tpu.memory_space<hbm>>) target(%dma_start3A_48 : memref<32x1024xf32, #tpu.memory_space<vmem>>) offsets(%dma_start3A_50 : memref<32xi32, #tpu.memory_space<vmem>>) semaphore(%arg7 : memref<!tpu.dma_semaphore, #tpu.memory_space<semaphore_mem>>)
    %scan3A = arith.constant 0 : i32
    %scan3A_54 = arith.constant 0 : i32
    %scan3A_55 = arith.constant 32 : i32
    %scan3A_56 = arith.addi %scan3A_54, %scan3A_55 : i32
    %scan3A_57 = arith.constant 1 : i32
    scf.for %scan3A_75 = %scan3A_54 to %scan3A_56 step %scan3A_57  : i32 {
      %rem3A_76 = arith.constant 3 : i32
      %rem3A_77 = arith.remsi %scan3A_75, %rem3A_76 : i32
      %mul3A_78 = arith.constant 32 : i32
      %mul3A_79 = arith.muli %scan3A_75, %mul3A_78 : i32
      %dma_wait3A_80 = arith.constant 0 : i32
      %dma_wait3A_81 = arith.constant 0 : i32
      %dma_wait3A_82 = tpu.memref_slice %arg6[%rem3A_77, %dma_wait3A_80, %dma_wait3A_81] : memref<3x32x1024xf32, #tpu.memory_space<vmem>> -> memref<1x32x1024xf32, #tpu.memory_space<vmem>>
      %dma_wait3A_83 = tpu.memref_squeeze %dma_wait3A_82 : memref<1x32x1024xf32, #tpu.memory_space<vmem>> -> memref<32x1024xf32, #tpu.memory_space<vmem>>
      %dma_wait3A_84 = tpu.memref_slice %arg5[%mul3A_79] : memref<1024xi32, #tpu.memory_space<vmem>> -> memref<32xi32, #tpu.memory_space<vmem>>
      %dma_wait3A_85 = arith.constant 0 : i32
      %dma_wait3A_86 = arith.constant 0 : i32
      %dma_wait3A_87 = tpu.memref_slice %arg3[%dma_wait3A_85, %dma_wait3A_86] : memref<8192x1024xf32, #tpu.memory_space<hbm>> -> memref<8192x1024xf32, #tpu.memory_space<hbm>>
      tpu.wait_indirect_dma semaphore(%arg7 : memref<!tpu.dma_semaphore, #tpu.memory_space<semaphore_mem>>) src(%dma_wait3A_87 : memref<8192x1024xf32, #tpu.memory_space<hbm>>) dst(%dma_wait3A_83 : memref<32x1024xf32, #tpu.memory_space<vmem>>)
      %mul3A_88 = arith.constant 32 : i32
      %mul3A_89 = arith.muli %scan3A_75, %mul3A_88 : i32
      %add3A_90 = arith.addi %mul3A_2, %mul3A_89 : i32
      %dma_start3A_91 = arith.constant 0 : i32
      %dma_start3A_92 = arith.constant 0 : i32
      %dma_start3A_93 = tpu.memref_slice %arg6[%rem3A_77, %dma_start3A_91, %dma_start3A_92] : memref<3x32x1024xf32, #tpu.memory_space<vmem>> -> memref<1x32x1024xf32, #tpu.memory_space<vmem>>
      %dma_start3A_94 = tpu.memref_squeeze %dma_start3A_93 : memref<1x32x1024xf32, #tpu.memory_space<vmem>> -> memref<32x1024xf32, #tpu.memory_space<vmem>>
      %dma_start3A_95 = arith.constant 0 : i32
      %dma_start3A_96 = tpu.memref_slice %arg4[%add3A_90, %dma_start3A_95] : memref<32768x1024xf32, #tpu.memory_space<hbm>> -> memref<32x1024xf32, #tpu.memory_space<hbm>>
      %dma_start3A_97 = arith.constant 0 : i32
      %dma_start3A_98 = tpu.memref_slice %arg4[%add3A_90, %dma_start3A_97] : memref<32768x1024xf32, #tpu.memory_space<hbm>> -> memref<32x1024xf32, #tpu.memory_space<hbm>>
      %dma_start3A_99 = arith.constant 0 : i32
      %dma_start3A_100 = arith.constant 0 : i32
      %dma_start3A_101 = tpu.memref_slice %arg6[%rem3A_77, %dma_start3A_99, %dma_start3A_100] : memref<3x32x1024xf32, #tpu.memory_space<vmem>> -> memref<1x32x1024xf32, #tpu.memory_space<vmem>>
      %dma_start3A_102 = tpu.memref_squeeze %dma_start3A_101 : memref<1x32x1024xf32, #tpu.memory_space<vmem>> -> memref<32x1024xf32, #tpu.memory_space<vmem>>
      tpu.enqueue_dma source(%dma_start3A_102 : memref<32x1024xf32, #tpu.memory_space<vmem>>) target(%dma_start3A_98 : memref<32x1024xf32, #tpu.memory_space<hbm>>) target_semaphore(%arg8 : memref<!tpu.dma_semaphore, #tpu.memory_space<semaphore_mem>>)
      %ge3A = arith.constant 1 : i32
      %ge3A_103 = arith.cmpi sge, %scan3A_75, %ge3A : i32
      %convert_element_type3A = arith.extui %ge3A_103 : i1 to i32
      %cond3A = arith.constant 0 : i32
      %cond3A_104 = arith.cmpi ne, %convert_element_type3A, %cond3A : i32
      scf.if %cond3A_104 {
        %sub3A_114 = arith.constant 1 : i32
        %sub3A_115 = arith.subi %scan3A_75, %sub3A_114 : i32
        %sub3A_116 = arith.constant 1 : i32
        %sub3A_117 = arith.subi %scan3A_75, %sub3A_116 : i32
        %rem3A_118 = arith.constant 3 : i32
        %rem3A_119 = arith.remsi %sub3A_117, %rem3A_118 : i32
        %mul3A_120 = arith.constant 32 : i32
        %mul3A_121 = arith.muli %sub3A_115, %mul3A_120 : i32
        %add3A_122 = arith.addi %mul3A_2, %mul3A_121 : i32
        %dma_wait3A_123 = arith.constant 0 : i32
        %dma_wait3A_124 = arith.constant 0 : i32
        %dma_wait3A_125 = tpu.memref_slice %arg6[%rem3A_119, %dma_wait3A_123, %dma_wait3A_124] : memref<3x32x1024xf32, #tpu.memory_space<vmem>> -> memref<1x32x1024xf32, #tpu.memory_space<vmem>>
        %dma_wait3A_126 = tpu.memref_squeeze %dma_wait3A_125 : memref<1x32x1024xf32, #tpu.memory_space<vmem>> -> memref<32x1024xf32, #tpu.memory_space<vmem>>
        %dma_wait3A_127 = arith.constant 0 : i32
        %dma_wait3A_128 = tpu.memref_slice %arg4[%add3A_122, %dma_wait3A_127] : memref<32768x1024xf32, #tpu.memory_space<hbm>> -> memref<32x1024xf32, #tpu.memory_space<hbm>>
        %dma_wait3A_129 = arith.constant 0 : i32
        %dma_wait3A_130 = tpu.memref_slice %arg4[%add3A_122, %dma_wait3A_129] : memref<32768x1024xf32, #tpu.memory_space<hbm>> -> memref<32x1024xf32, #tpu.memory_space<hbm>>
        %dma_wait3A_131 = arith.constant 0 : i32
        %dma_wait3A_132 = arith.constant 0 : i32
        %dma_wait3A_133 = tpu.memref_slice %arg6[%rem3A_119, %dma_wait3A_131, %dma_wait3A_132] : memref<3x32x1024xf32, #tpu.memory_space<vmem>> -> memref<1x32x1024xf32, #tpu.memory_space<vmem>>
        %dma_wait3A_134 = tpu.memref_squeeze %dma_wait3A_133 : memref<1x32x1024xf32, #tpu.memory_space<vmem>> -> memref<32x1024xf32, #tpu.memory_space<vmem>>
        tpu.wait_dma2 semaphore(%arg8 : memref<!tpu.dma_semaphore, #tpu.memory_space<semaphore_mem>>) src(%dma_wait3A_134 : memref<32x1024xf32, #tpu.memory_space<vmem>>) dst(%dma_wait3A_130 : memref<32x1024xf32, #tpu.memory_space<hbm>>)
      } else {
      }
      %add3A_105 = arith.constant 3 : i32
      %add3A_106 = arith.addi %scan3A_75, %add3A_105 : i32
      %sub3A_107 = arith.constant 1 : i32
      %sub3A_108 = arith.subi %add3A_106, %sub3A_107 : i32
      %lt3A_109 = arith.constant 32 : i32
      %lt3A_110 = arith.cmpi slt, %sub3A_108, %lt3A_109 : i32
      %convert_element_type3A_111 = arith.extui %lt3A_110 : i1 to i32
      %cond3A_112 = arith.constant 0 : i32
      %cond3A_113 = arith.cmpi ne, %convert_element_type3A_111, %cond3A_112 : i32
      scf.if %cond3A_113 {
        %add3A_114 = arith.constant 3 : i32
        %add3A_115 = arith.addi %scan3A_75, %add3A_114 : i32
        %sub3A_116 = arith.constant 1 : i32
        %sub3A_117 = arith.subi %add3A_115, %sub3A_116 : i32
        %add3A_118 = arith.constant 3 : i32
        %add3A_119 = arith.addi %scan3A_75, %add3A_118 : i32
        %sub3A_120 = arith.constant 1 : i32
        %sub3A_121 = arith.subi %add3A_119, %sub3A_120 : i32
        %rem3A_122 = arith.constant 3 : i32
        %rem3A_123 = arith.remsi %sub3A_121, %rem3A_122 : i32
        %mul3A_124 = arith.constant 32 : i32
        %mul3A_125 = arith.muli %sub3A_117, %mul3A_124 : i32
        %dma_start3A_126 = arith.constant 0 : i32
        %dma_start3A_127 = arith.constant 0 : i32
        %dma_start3A_128 = tpu.memref_slice %arg6[%rem3A_123, %dma_start3A_126, %dma_start3A_127] : memref<3x32x1024xf32, #tpu.memory_space<vmem>> -> memref<1x32x1024xf32, #tpu.memory_space<vmem>>
        %dma_start3A_129 = tpu.memref_squeeze %dma_start3A_128 : memref<1x32x1024xf32, #tpu.memory_space<vmem>> -> memref<32x1024xf32, #tpu.memory_space<vmem>>
        %dma_start3A_130 = tpu.memref_slice %arg5[%mul3A_125] : memref<1024xi32, #tpu.memory_space<vmem>> -> memref<32xi32, #tpu.memory_space<vmem>>
        %dma_start3A_131 = arith.constant 0 : i32
        %dma_start3A_132 = arith.constant 0 : i32
        %dma_start3A_133 = tpu.memref_slice %arg3[%dma_start3A_131, %dma_start3A_132] : memref<8192x1024xf32, #tpu.memory_space<hbm>> -> memref<8192x1024xf32, #tpu.memory_space<hbm>>
        tpu.enqueue_indirect_dma source(%dma_start3A_133 : memref<8192x1024xf32, #tpu.memory_space<hbm>>) target(%dma_start3A_129 : memref<32x1024xf32, #tpu.memory_space<vmem>>) offsets(%dma_start3A_130 : memref<32xi32, #tpu.memory_space<vmem>>) semaphore(%arg7 : memref<!tpu.dma_semaphore, #tpu.memory_space<semaphore_mem>>)
      } else {
      }
    }
    %scan3A_58 = arith.constant 32 : i32
    %rem3A_59 = arith.constant 31 : i32
    %rem3A_60 = arith.constant 3 : i32
    %rem3A_61 = arith.remsi %rem3A_59, %rem3A_60 : i32
    %add3A_62 = arith.constant 992 : i32
    %add3A_63 = arith.addi %mul3A_2, %add3A_62 : i32
    %dma_wait3A = arith.constant 0 : i32
    %dma_wait3A_64 = arith.constant 0 : i32
    %dma_wait3A_65 = tpu.memref_slice %arg6[%rem3A_61, %dma_wait3A, %dma_wait3A_64] : memref<3x32x1024xf32, #tpu.memory_space<vmem>> -> memref<1x32x1024xf32, #tpu.memory_space<vmem>>
    %dma_wait3A_66 = tpu.memref_squeeze %dma_wait3A_65 : memref<1x32x1024xf32, #tpu.memory_space<vmem>> -> memref<32x1024xf32, #tpu.memory_space<vmem>>
    %dma_wait3A_67 = arith.constant 0 : i32
    %dma_wait3A_68 = tpu.memref_slice %arg4[%add3A_63, %dma_wait3A_67] : memref<32768x1024xf32, #tpu.memory_space<hbm>> -> memref<32x1024xf32, #tpu.memory_space<hbm>>
    %dma_wait3A_69 = arith.constant 0 : i32
    %dma_wait3A_70 = tpu.memref_slice %arg4[%add3A_63, %dma_wait3A_69] : memref<32768x1024xf32, #tpu.memory_space<hbm>> -> memref<32x1024xf32, #tpu.memory_space<hbm>>
    %dma_wait3A_71 = arith.constant 0 : i32
    %dma_wait3A_72 = arith.constant 0 : i32
    %dma_wait3A_73 = tpu.memref_slice %arg6[%rem3A_61, %dma_wait3A_71, %dma_wait3A_72] : memref<3x32x1024xf32, #tpu.memory_space<vmem>> -> memref<1x32x1024xf32, #tpu.memory_space<vmem>>
    %dma_wait3A_74 = tpu.memref_squeeze %dma_wait3A_73 : memref<1x32x1024xf32, #tpu.memory_space<vmem>> -> memref<32x1024xf32, #tpu.memory_space<vmem>>
    tpu.wait_dma2 semaphore(%arg8 : memref<!tpu.dma_semaphore, #tpu.memory_space<semaphore_mem>>) src(%dma_wait3A_74 : memref<32x1024xf32, #tpu.memory_space<vmem>>) dst(%dma_wait3A_70 : memref<32x1024xf32, #tpu.memory_space<hbm>>)
    return
  }
}

</mosaic_0001>

<sc_bundles>
// kernel: kernel.3.cloned.1.call-start
scs
__scs_entry_jumppad:
0x0: {  	(pc) =	sbr.rel $0x88, $3  }
0x1: {  	(tag) =	ssettag $0x0;
	lr =	simm.s32 $0x1  }
0x2: {  	[smem:$0x3F9F] =	sst lr;
	_ =	strace $0xD0000000  }
0x3: {  	_ = 	snop  }
0x4: {  	_ = 	snop  }
0x5: {  	_ = 	snop  }
0x6: {  	_ = 	snop  }
0x7: {  	_ = 	snop  }
__scs_overlays_trampoline_lowered:
0x8: {  	[smem:$0x3FAE] =	sst s0  }
0x9: {  	[smem:$0x3FAF] =	sst s1  }
0xa: {  	[smem:$0x3FB0] =	sst s2  }
0xb: {  	[smem:$0x3FB1] =	sst s3  }
0xc: {  	[smem:$0x3FB2] =	sst s4  }
0xd: {  	[smem:$0x3FB3] =	sst s5  }
0xe: {  	[smem:$0x3FB4] =	sst s6  }
0xf: {  	[smem:$0x3FB5] =	sst s7  }
0x10: {  	[smem:$0x3FB6] =	sst s8  }
0x11: {  	[smem:$0x3FB7] =	sst s9;
	s0 =	simm.s32 @!p0 $0x0  }
0x12: {  	s1 =	sld [smem:$0x3F9D];
	s0 =	simm.s32 @p0 $0x1  }
0x13: {  	[smem:$0x3FB8] =	sst s0;
	s0 =	simm.s32 @!p1 $0x0  }
0x14: {  	s2 =	sld [smem:$0x3F9C];
	s0 =	simm.s32 @p1 $0x1  }
0x15: {  	[smem:$0x3FB9] =	sst s0;
	s0 =	simm.s32 @!p2 $0x0  }
0x16: {  	s3 =	sld [smem:$0x3FDB];
	s0 =	simm.s32 @p2 $0x1  }
0x17: {  	s4 =	simm.s32 $0x1BF5;
	[smem:$0x3FBB] =	sst s0  }
0x18: {  	s0 =	sld [smem:$0x3F9E];
	_ =	swait.ge [sflag:s4], $0x0  }
0x19: {  	s7 =	sld [smem:$0x3F9F]  }
0x1a: {  	s8 =	sadd.s32 $0xFFFFE003, lr  }
0x1b: {  	s9 =	sadd.s32 $0xFFFFFEF7, lr;
	s5 =	simm.s32 $0xFFFFFFFF;
	p2 =	slt.u32 s8, $0xFFFFF086  }
0x1c: {  	p1 =	slt.u32 s9, $0xF7A;
	s5 =	simm.s32 @!p2 $0x0  }
0x1d: {  	s5 =	simm.s32 @p1 $0x1;
	p0 =	seq.s32 s7, s2  }
0x1e: {  	s7 =	smul.u32 @!p0 $0xF7A, s2;
	p2 =	seq.s32 @!p0 s5, $0x0  }
0x1f: {  	s9 =	smul.u32 $0xF7A, s1;
	s8 =	simm.s32 @!p0 $0x1BF5;
	p2 =	por !p2, p0  }
0x20: {  	[sflag:s8] =	ssyncset.s32 @!p0 $0xFFFFF086;
	s6 =	sadd.s32 @!p0 s3, s7;
	s7 =	simm.s32 @!p0 $0x108  }
0x21: {  	s3 =	sadd.s32 s3, s9;
	s6 =	sadd.s32 @!p0 $0x88, s6;
	s7 =	simm.s32 @p2 $0x1082  }
0x22: {  	[simem:s7], [sflag:s8] =	dma.local @!p0 [hbm:s6], $0xF7A  }
0x23: {  	s9 =	sor.u32 $0xD0000000, s2;
	s6 =	simm.s32 $0x108;
	_ =	swait.ge @!p0 [sflag:s8], $0x0  }
0x24: {  	s3 =	sadd.s32 $0x88, s3;
	s6 =	simm.s32 @!p1 $0x1082;
	[sflag:s4] =	ssyncset.s32 $0xFFFFF086  }
0x25: {  	[simem:s6], [sflag:s4] =	dma.local [hbm:s3], $0xF7A  }
0x26: {  	[smem:$0x3F9F] =	sst s1;
	(tag) =	ssettag s2;
	_ =	strace s9  }
0x27: {  	s1 =	sld [smem:$0x3FAF]  }
0x28: {  	s2 =	sld [smem:$0x3FB0]  }
0x29: {  	s4 =	sld [smem:$0x3FB2]  }
0x2a: {  	p0 =	seq.s32 s5, $0x0;
	s5 =	sld [smem:$0x3FB3]  }
0x2b: {  	s6 =	sld [smem:$0x3FB4]  }
0x2c: {  	s7 =	sld [smem:$0x3FB5]  }
0x2d: {  	s3 =	simm.s32 $0x108;
	s8 =	sld [smem:$0x3FB6]  }
0x2e: {  	s3 =	simm.s32 @!p0 $0x1082;
	s9 =	sld [smem:$0x3FB7]  }
0x2f: {  	lr =	sadd.s32 s0, s3;
	s0 =	sld [smem:$0x3FAE]  }
0x30: {  	s3 =	sld [smem:$0x3FB1]  }
0x31: {  	[smem:$0x3FBA] =	sst s10  }
0x32: {  	s10 =	sld [smem:$0x3FB8];
	_ =	sdelay $0x3  }
0x33: {  	p0 =	seq.s32 s10, $0x1;
	s10 =	sld [smem:$0x3FBA];
	_ =	sdelay $0x3  }
0x34: {  	[smem:$0x3FBA] =	sst s10  }
0x35: {  	s10 =	sld [smem:$0x3FB9];
	_ =	sdelay $0x3  }
0x36: {  	p1 =	seq.s32 s10, $0x1;
	s10 =	sld [smem:$0x3FBA];
	_ =	sdelay $0x3  }
0x37: {  	[smem:$0x3FBA] =	sst s10  }
0x38: {  	s10 =	sld [smem:$0x3FBB]  }
0x39: {  	_ = 	snop;
	(pc) =	sbr.ind lr, $3  }
0x3a: {  	_ = 	snop  }
0x3b: {  	_ = 	snop  }
0x3c: {  	p2 =	seq.s32 s10, $0x1;
	s10 =	sld [smem:$0x3FBA]  }
0x3d: {  	_ =	shalt  }
0x3e: {  	_ =	shalt  }
0x3f: {  	_ =	shalt  }
0x40: {  	_ =	shalt  }
0x41: {  	_ =	shalt  }
0x42: {  	_ =	shalt  }
0x43: {  	_ =	shalt  }
0x44: {  	_ =	shalt  }
0x45: {  	_ =	shalt  }
0x46: {  	_ =	shalt  }
0x47: {  	_ =	shalt  }
0x48: {  	_ =	shalt  }
0x49: {  	_ =	shalt  }
0x4a: {  	_ =	shalt  }
0x4b: {  	_ =	shalt  }
0x4c: {  	_ =	shalt  }
0x4d: {  	_ =	shalt  }
0x4e: {  	_ =	shalt  }
0x4f: {  	_ =	shalt  }
0x50: {  	_ =	shalt  }
0x51: {  	_ =	shalt  }
0x52: {  	_ =	shalt  }
0x53: {  	_ =	shalt  }
0x54: {  	_ =	shalt  }
0x55: {  	_ =	shalt  }
0x56: {  	_ =	shalt  }
0x57: {  	_ =	shalt  }
0x58: {  	_ =	shalt  }
0x59: {  	_ =	shalt  }
0x5a: {  	_ =	shalt  }
0x5b: {  	_ =	shalt  }
0x5c: {  	_ =	shalt  }
0x5d: {  	_ =	shalt  }
0x5e: {  	_ =	shalt  }
0x5f: {  	_ =	shalt  }
0x60: {  	_ =	shalt  }
0x61: {  	_ =	shalt  }
0x62: {  	_ =	shalt  }
0x63: {  	_ =	shalt  }
0x64: {  	_ =	shalt  }
0x65: {  	_ =	shalt  }
0x66: {  	_ =	shalt  }
0x67: {  	_ =	shalt  }
0x68: {  	_ =	shalt  }
0x69: {  	_ =	shalt  }
0x6a: {  	_ =	shalt  }
0x6b: {  	_ =	shalt  }
0x6c: {  	_ =	shalt  }
0x6d: {  	_ =	shalt  }
0x6e: {  	_ =	shalt  }
0x6f: {  	_ =	shalt  }
0x70: {  	_ =	shalt  }
0x71: {  	_ =	shalt  }
0x72: {  	_ =	shalt  }
0x73: {  	_ =	shalt  }
0x74: {  	_ =	shalt  }
0x75: {  	_ =	shalt  }
0x76: {  	_ =	shalt  }
0x77: {  	_ =	shalt  }
0x78: {  	_ =	shalt  }
0x79: {  	_ =	shalt  }
0x7a: {  	_ =	shalt  }
0x7b: {  	_ =	shalt  }
0x7c: {  	_ =	shalt  }
0x7d: {  	_ =	shalt  }
0x7e: {  	_ =	shalt  }
0x7f: {  	_ =	shalt  }
0x80: {  	_ =	shalt  }
0x81: {  	_ =	shalt  }
0x82: {  	_ =	shalt  }
0x83: {  	_ =	shalt  }
0x84: {  	_ =	shalt  }
0x85: {  	_ =	shalt  }
0x86: {  	_ =	shalt  }
0x87: {  	_ =	shalt  }
.Lfunc_end0:
.L_simem_size_0:
called_computation_lowered:
.L_overlay_start_0:
0x88: {  	s2 =	sld [smem:$0x3FD9]  }
0x89: {  	s3 =	sld [smem:$0x3FFE];
	_ =	sdelay $0x1  }
0x8a: {  	s1 =	srdreg.scid  }
0x8b: {  	s0 =	sand.u32 $0x1, s1  }
0x8c: {  	s18 =	sshll.u32 s0, $0xA;
	s2 =	sadd.s32 s3, s2  }
0x8d: {  	s2 =	sadd.s32 s2, s18  }
0x8e: {  	[smem:$0x3FC6] =	sst s2  }
0x8f: {  	_ = 	snop  }
0x90: {  	s2 =	sld [smem:$0x3FC9]  }
0x91: {  	s19 =	sld [smem:$0x3FC8]  }
0x92: {  	s4 =	sld [smem:$0x3FD0];
	(tm) =	ssettm $0x1  }
0x93: {  	s5 =	sld [smem:$0x3FFB];
	_ =	sdelay $0x3  }
0x94: {  	_ =	strace s5  }
0x95: {  	s5 =	sld [smem:$0x3FFC];
	_ =	sdelay $0x3  }
0x96: {  	_ =	strace s5  }
0x97: {  	s5 =	sld [smem:$0x3FFD];
	_ =	sdelay $0x3  }
0x98: {  	_ =	strace s5  }
0x99: {  	_ =	strace $0x8FFFFFFF  }
0x9a: {  	s20 =	sld [smem:$0x3FDB];
	_ =	sdelay $0x1  }
0x9b: {  	s6 =	simm.s32 $_scs_section_size  }
0x9c: {  	s7 =	simm.s32 $_size__tile_overlayer_lowered;
	s8 =	simm.s32 $_tile_overlayer_lowered  }
0x9d: {  	s23 =	simm.s32 $0x1BFF;
	s22 =	sshll.u32 s8, $0x1;
	s5 =	sadd.s32 s6, s20  }
0x9e: {  	s9 =	simm.s32 $0x0;
	s21 =	sshll.u32 s7, $0x1;
	s7 =	sadd.s32 s22, s5  }
0x9f: {  	[timem:s9], [sflag:s23] =	dma.local [hbm:s7], s21  }
0xa0: {  	_ =	swait.ge [sflag:s23], s21  }
0xa1: {  	s6 =	ssub.s32 $0x0, s21;
	[sflag:s23] =	ssyncset.done $0x0  }
0xa2: {  	[sflag:s23] =	ssyncadd.s32 s6;
	_ =	sdelay $0x1  }
0xa3: {  	s24 =	simm.s32 $0x1B8B  }
0xa4: {  	_ =	swait.ge [sflag:s24], $0x1  }
0xa5: {  	[sflag:s24] =	ssyncset.done $0x0  }
0xa6: {  	s25 =	simm.s32 $0x1B8E;
	[sflag:s24] =	ssyncadd.s32 $0xFFFFFFFF  }
0xa7: {  	s26 =	simm.s32 $execute0_lowered;
	[smem:$0x3FD2] =	sst s25  }
0xa8: {  	s6 =	sshll.u32 s26, $0x1;
	_ =	strace $0x80000046;
	[dreg:$0x1] =	wrdreg $0xFFFFFFFF  }
0xa9: {  	s28 =	simm.s32 $_size_execute0_lowered;
	s5 =	sadd.s32 s5, s6;
	[dreg:$0x0] =	wrdreg $0x0  }
0xaa: {  	s6 =	sshll.u32 s28, $0x1;
	[dreg:$0x2] =	wrdreg s5  }
0xab: {  	[dreg:$0x3] =	wrdreg s6  }
0xac: {  	[dreg:$0x4] =	wrdreg $0xC0  }
0xad: {  	_ =	task [dreg:s9], $0x5FFFF  }
0xae: {  	[dreg:$0x1] =	wrdreg $0xFFFFFFFF  }
0xaf: {  	[dreg:$0x0] =	wrdreg $0x60  }
0xb0: {  	[dreg:$0x2] =	wrdreg s2  }
0xb1: {  	[dreg:$0x3] =	wrdreg s19  }
0xb2: {  	[dreg:$0x4] =	wrdreg s4  }
0xb3: {  	[dreg:$0x5] =	wrdreg $0x9  }
0xb4: {  	_ =	task.clear_ibuf [dreg:s9], $0x6FFFF;
	_ =	strace $0x90000046  }
0xb5: {  	s29 =	simm.s32 $0x9;
	_ =	strace $0x80000048  }
0xb6: {  	_ =	swait.ge [sflag:s29], $0x1  }
0xb7: {  	[sflag:s29] =	ssyncadd.s32 $0xFFFFFFFF  }
0xb8: {  	_ =	strace $0x90000048  }
0xb9: {  	_ =	sfence  }
0xba: {  	s30 =	sld [smem:$0x0];
	_ =	sdelay $0x2  }
0xbb: {  	s31 =	sshll.u32 s1, $0xD;
	s1 =	sshrl.u32 s1, $0x2  }
0xbc: {  	s3 =	sand.u32 $0x4000, s31;
	s1 =	sadd.s32 s1, s30  }
0xbd: {  	s0 =	sor.u32 s3, s0;
	s1 =	sshll.u32 s1, $0x11  }
0xbe: {  	s0 =	sor.u32 s1, s0  }
0xbf: {  	s0 =	sadd.s32 $0x8F2B, s0  }
0xc0: {  	[sflag:s0] =	ssyncadd.remote.s32 $0x1  }
0xc1: {  	_ =	sfence.sel $0xFFFF  }
0xc2: {  	[dreg:$0x0] =	wrdreg $0xFFFFFFFF;
	(pc) =	sbr.abs _section_cstart, $3  }
0xc3: {  	[dreg:$0x1] =	wrdreg $0xFFFFFFFF  }
0xc4: {  	_ =	task.clear_ibuf [dreg:s9], $0x2FFFF;
	_ =	strace $0x9FFFFFFF  }
0xc5: {  	(tm) =	ssettm $0x7FFFFFFF  }
tec
execute0_lowered:
.L_overlay_start_1:
0x0: {  	(tag) =	ssettag $0x1  }
0x1: {  	s0 =	rddreg [dreg:$0x0]  }
0x2: {  	s1 =	rddreg [dreg:$0x1]  }
0x3: {  	s2 =	rddreg [dreg:$0x2];
	s3 =	simm.s32 $0x0;
	s4 =	srdreg.scid  }
0x4: {  	s10 =	stileid.u32;
	s12 =	simm.s32 $0x3;
	s11 =	simm.s32 $0xAC00  }
0x5: {  	s13 =	simm.s32 $0xB400;
	s14 =	simm.s32 $0xBC00;
	s15 =	simm.s32 $0xC400  }
0x6: {  	s16 =	simm.s32 $0xCC00;
	s17 =	simm.s32 $0xD400;
	s18 =	simm.s32 $0xDC00  }
0x7: {  	s19 =	simm.s32 $0xE400;
	s20 =	simm.s32 $0xEC00;
	s21 =	simm.s32 $0xF400  }
0x8: {  	s22 =	simm.s32 $0xFC00;
	s23 =	simm.s32 $0x1;
	s24 =	simm.s32 $0x2  }
0x9: {  	[smem:$0x7FF] =	sst s3;
	s9 =	sand.u32 $0x1, s4;
	s25 =	sshll.u32 s10, $0xA  }
0xa: {  	s6 =	sshll.u32 s10, $0x2;
	s30 =	sshll.u32 s10, $0x12;
	s10 =	simm.s32 $0xA400  }
0xb: {  	_ =	strace $0x80000047;
	s5 =	sshll.u32 s9, $0x9;
	s7 =	ssub.s32 $0x2, s9  }
0xc: {  	s26 =	sand.u32 $0x30, s6;
	s6 =	sadd.s32 $0x200, s1;
	s31 =	sshll.u32 s9, $0x11  }
.Ltmp0:
0xd: {  	s4 =	sor.u32 s5, s25;
	s29 =	sshrl.u32 s7, $0x1;
	(pc) =	sbr.rel .LBB2_1-.Ltmp0, $4  }
0xe: {  	s0 =	sadd.s32 s0, s26;
	s5 =	sadd.s32 $0x100, s1;
	s25 =	simm.s32 $0x0  }
0xf: {  	v2 =	vlaneseq.u32;
	s4 =	sand.u32 $0xE00, s4;
	s8 =	ssub.s32 s7, s29;
	s7 =	sadd.s32 $0x300, s1  }
0x10: {  	vm0 =	vmmov $0xffff;
	v1 =	vshrl.u32 v2, $0x3;
	s4 =	sadd.s32 s4, s0;
	s8 =	smax.u32 s8, $0x1;
	s0 =	sadd.s32 s30, s2  }
0x11: {  	v0 =	vand.u32 $0x7, v2;
	v2 =	vor.u32 $0x8, v2;
	v1 =	vmul.u32 $0x8, v1;
	s2 =	simm.s32 $0x9C00;
	s28 =	sadd.s32 s31, s0;
	s0 =	simm.s32 $0x9400  }
.LBB2_5:
0x12: {  	s25 =	sadd.s32 $0x1, s25  }
0x13: {  	p0 =	sne.s32 s25, s8  }
.Ltmp1:
0x14: {  	_ = 	snop;
	(pc) =	sbr.rel @!p0 .LBB2_6-.Ltmp1, $4  }
0x15: {  	_ = 	snop  }
0x16: {  	_ =	swait.ge [sflag:s24], $0x8000  }
0x17: {  	[sflag:s24] =	ssyncset.done $0x0  }
0x18: {  	[sflag:s24] =	ssyncadd.s32 $0xFFFF8000  }
.LBB2_1:
0x19: {  	s9 =	simm.s32 $0x80;
	s26 =	simm.s32 $0x200  }
0x1a: {  	[tilespmem:s3], [sflag:$0x3] =	stream.strided.gather [hbm4b:s4+s9], $0x400, s26, s9, $0x38;
	[tilespmem:$0x18400] =	vst v63  }
0x1b: {  	_ =	swait.ge [sflag:s12], $0x400  }
0x1c: {  	[sflag:s12] =	ssyncset.done $0x0  }
0x1d: {  	[sflag:s12] =	ssyncadd.s32 $0xFFFFFC00  }
0x1e: {  	v3 =	vld [tilespmem:$0x0];
	_ =	sdelay $0x4  }
0x1f: {  	v4 =	vshll.u32 v3, $0x3  }
0x20: {  	v3 =	vand.u32 $0x7, v3;
	v4 =	vand.u32 $0xFFFFFFC0, v4  }
0x21: {  	v3 =	vor.u32 v3, v4  }
0x22: {  	v4 =	vperm.xlane v3, v0;
	_ =	sdelay $0x1  }
0x23: {  	v4 =	vadd.s32 v1, v4;
	_ =	sdelay $0x3  }
0x24: {  	s26 =	simm.s32 $0x400  }
0x25: {  	[tilespmem:s26], [sflag:$0x1] =	stream.indirect_vreg.gather [hbm4b:s1+s3], $0x80, v4, vm0, $0xb8;
	[tilespmem:$0x18400] =	vst v63  }
0x26: {  	s30 =	simm.s32 $0xC00;
	v3 =	vperm.xlane v3, v2  }
0x27: {  	[tilespmem:s30], [sflag:$0x1] =	stream.indirect_vreg.gather [hbm4b:s5+s3], $0x80, v4, vm0, $0xb8;
	[tilespmem:$0x18400] =	vst v63  }
0x28: {  	s31 =	simm.s32 $0x1400;
	v3 =	vadd.s32 v1, v3  }
0x29: {  	[tilespmem:s31], [sflag:$0x1] =	stream.indirect_vreg.gather [hbm4b:s6+s3], $0x80, v4, vm0, $0xb8;
	[tilespmem:$0x18400] =	vst v63  }
0x2a: {  	s26 =	simm.s32 $0x1C00  }
0x2b: {  	[tilespmem:s26], [sflag:$0x1] =	stream.indirect_vreg.gather [hbm4b:s7+s3], $0x80, v4, vm0, $0xb8;
	[tilespmem:$0x18400] =	vst v63  }
0x2c: {  	s30 =	simm.s32 $0x2400  }
0x2d: {  	[tilespmem:s30], [sflag:$0x1] =	stream.indirect_vreg.gather [hbm4b:s1+s3], $0x80, v3, vm0, $0xb8;
	[tilespmem:$0x18400] =	vst v63  }
0x2e: {  	s31 =	simm.s32 $0x2C00  }
0x2f: {  	[tilespmem:s31], [sflag:$0x1] =	stream.indirect_vreg.gather [hbm4b:s5+s3], $0x80, v3, vm0, $0xb8;
	[tilespmem:$0x18400] =	vst v63  }
0x30: {  	s26 =	simm.s32 $0x3400  }
0x31: {  	[tilespmem:s26], [sflag:$0x1] =	stream.indirect_vreg.gather [hbm4b:s6+s3], $0x80, v3, vm0, $0xb8;
	[tilespmem:$0x18400] =	vst v63  }
0x32: {  	s30 =	simm.s32 $0x3C00  }
0x33: {  	[tilespmem:s30], [sflag:$0x1] =	stream.indirect_vreg.gather [hbm4b:s7+s3], $0x80, v3, vm0, $0xb8;
	[tilespmem:$0x18400] =	vst v63  }
0x34: {  	v3 =	vld [tilespmem:$0x10];
	_ =	sdelay $0x4  }
0x35: {  	v61 =	vshll.u32 v3, $0x3  }
0x36: {  	v3 =	vand.u32 $0x7, v3;
	v4 =	vand.u32 $0xFFFFFFC0, v61  }
0x37: {  	v3 =	vor.u32 v3, v4  }
0x38: {  	v4 =	vperm.xlane v3, v0;
	_ =	sdelay $0x1  }
0x39: {  	v4 =	vadd.s32 v1, v4;
	_ =	sdelay $0x3  }
0x3a: {  	s31 =	simm.s32 $0x4400  }
0x3b: {  	[tilespmem:s31], [sflag:$0x1] =	stream.indirect_vreg.gather [hbm4b:s1+s3], $0x80, v4, vm0, $0xb8;
	[tilespmem:$0x18400] =	vst v63  }
0x3c: {  	s26 =	simm.s32 $0x4C00;
	v3 =	vperm.xlane v3, v2  }
0x3d: {  	[tilespmem:s26], [sflag:$0x1] =	stream.indirect_vreg.gather [hbm4b:s5+s3], $0x80, v4, vm0, $0xb8;
	[tilespmem:$0x18400] =	vst v63  }
0x3e: {  	s30 =	simm.s32 $0x5400;
	v3 =	vadd.s32 v1, v3  }
0x3f: {  	[tilespmem:s30], [sflag:$0x1] =	stream.indirect_vreg.gather [hbm4b:s6+s3], $0x80, v4, vm0, $0xb8;
	[tilespmem:$0x18400] =	vst v63  }
0x40: {  	s31 =	simm.s32 $0x5C00  }
0x41: {  	[tilespmem:s31], [sflag:$0x1] =	stream.indirect_vreg.gather [hbm4b:s7+s3], $0x80, v4, vm0, $0xb8;
	[tilespmem:$0x18400] =	vst v63  }
0x42: {  	s26 =	simm.s32 $0x6400  }
0x43: {  	[tilespmem:s26], [sflag:$0x1] =	stream.indirect_vreg.gather [hbm4b:s1+s3], $0x80, v3, vm0, $0xb8;
	[tilespmem:$0x18400] =	vst v63  }
0x44: {  	s30 =	simm.s32 $0x6C00  }
0x45: {  	[tilespmem:s30], [sflag:$0x1] =	stream.indirect_vreg.gather [hbm4b:s5+s3], $0x80, v3, vm0, $0xb8;
	[tilespmem:$0x18400] =	vst v63  }
0x46: {  	s31 =	simm.s32 $0x7400  }
0x47: {  	[tilespmem:s31], [sflag:$0x1] =	stream.indirect_vreg.gather [hbm4b:s6+s3], $0x80, v3, vm0, $0xb8;
	[tilespmem:$0x18400] =	vst v63  }
0x48: {  	s26 =	simm.s32 $0x7C00  }
0x49: {  	[tilespmem:s26], [sflag:$0x1] =	stream.indirect_vreg.gather [hbm4b:s7+s3], $0x80, v3, vm0, $0xb8;
	[tilespmem:$0x18400] =	vst v63  }
0x4a: {  	v3 =	vld [tilespmem:$0x20];
	_ =	sdelay $0x4  }
0x4b: {  	v62 =	vshll.u32 v3, $0x3  }
0x4c: {  	v3 =	vand.u32 $0x7, v3;
	v4 =	vand.u32 $0xFFFFFFC0, v62  }
0x4d: {  	v3 =	vor.u32 v3, v4  }
0x4e: {  	v4 =	vperm.xlane v3, v0;
	_ =	sdelay $0x1  }
0x4f: {  	v4 =	vadd.s32 v1, v4;
	_ =	sdelay $0x3  }
0x50: {  	s30 =	simm.s32 $0x8400  }
0x51: {  	[tilespmem:s30], [sflag:$0x1] =	stream.indirect_vreg.gather [hbm4b:s1+s3], $0x80, v4, vm0, $0xb8;
	[tilespmem:$0x18400] =	vst v63  }
0x52: {  	s31 =	simm.s32 $0x8C00;
	v3 =	vperm.xlane v3, v2  }
0x53: {  	[tilespmem:s31], [sflag:$0x1] =	stream.indirect_vreg.gather [hbm4b:s5+s3], $0x80, v4, vm0, $0xb8;
	[tilespmem:$0x18400] =	vst v63  }
0x54: {  	v3 =	vadd.s32 v1, v3  }
0x55: {  	[tilespmem:s0], [sflag:$0x1] =	stream.indirect_vreg.gather [hbm4b:s6+s3], $0x80, v4, vm0, $0xb8;
	[tilespmem:$0x18400] =	vst v63  }
0x56: {  	_ = 	snop  }
0x57: {  	[tilespmem:s2], [sflag:$0x1] =	stream.indirect_vreg.gather [hbm4b:s7+s3], $0x80, v4, vm0, $0xb8;
	[tilespmem:$0x18400] =	vst v63  }
0x58: {  	_ = 	snop  }
0x59: {  	[tilespmem:s10], [sflag:$0x1] =	stream.indirect_vreg.gather [hbm4b:s1+s3], $0x80, v3, vm0, $0xb8;
	[tilespmem:$0x18400] =	vst v63  }
0x5a: {  	_ = 	snop  }
0x5b: {  	[tilespmem:s11], [sflag:$0x1] =	stream.indirect_vreg.gather [hbm4b:s5+s3], $0x80, v3, vm0, $0xb8;
	[tilespmem:$0x18400] =	vst v63  }
0x5c: {  	_ = 	snop  }
0x5d: {  	[tilespmem:s13], [sflag:$0x1] =	stream.indirect_vreg.gather [hbm4b:s6+s3], $0x80, v3, vm0, $0xb8;
	[tilespmem:$0x18400] =	vst v63  }
0x5e: {  	_ = 	snop  }
0x5f: {  	[tilespmem:s14], [sflag:$0x1] =	stream.indirect_vreg.gather [hbm4b:s7+s3], $0x80, v3, vm0, $0xb8;
	[tilespmem:$0x18400] =	vst v63  }
0x60: {  	v3 =	vld [tilespmem:$0x30];
	_ =	sdelay $0x4  }
0x61: {  	v63 =	vshll.u32 v3, $0x3  }
0x62: {  	v3 =	vand.u32 $0x7, v3;
	v4 =	vand.u32 $0xFFFFFFC0, v63  }
0x63: {  	v3 =	vor.u32 v3, v4  }
0x64: {  	v4 =	vperm.xlane v3, v0;
	_ =	sdelay $0x1  }
0x65: {  	v4 =	vadd.s32 v1, v4;
	_ =	sdelay $0x4  }
0x66: {  	[tilespmem:s15], [sflag:$0x1] =	stream.indirect_vreg.gather [hbm4b:s1+s3], $0x80, v4, vm0, $0xb8;
	[tilespmem:$0x18400] =	vst v63  }
0x67: {  	v3 =	vperm.xlane v3, v2  }
0x68: {  	[tilespmem:s16], [sflag:$0x1] =	stream.indirect_vreg.gather [hbm4b:s5+s3], $0x80, v4, vm0, $0xb8;
	[tilespmem:$0x18400] =	vst v63  }
0x69: {  	v3 =	vadd.s32 v1, v3  }
0x6a: {  	[tilespmem:s17], [sflag:$0x1] =	stream.indirect_vreg.gather [hbm4b:s6+s3], $0x80, v4, vm0, $0xb8;
	[tilespmem:$0x18400] =	vst v63  }
0x6b: {  	_ = 	snop  }
0x6c: {  	[tilespmem:s18], [sflag:$0x1] =	stream.indirect_vreg.gather [hbm4b:s7+s3], $0x80, v4, vm0, $0xb8;
	[tilespmem:$0x18400] =	vst v63  }
0x6d: {  	_ = 	snop  }
0x6e: {  	[tilespmem:s19], [sflag:$0x1] =	stream.indirect_vreg.gather [hbm4b:s1+s3], $0x80, v3, vm0, $0xb8;
	[tilespmem:$0x18400] =	vst v63  }
0x6f: {  	_ = 	snop  }
0x70: {  	[tilespmem:s20], [sflag:$0x1] =	stream.indirect_vreg.gather [hbm4b:s5+s3], $0x80, v3, vm0, $0xb8;
	[tilespmem:$0x18400] =	vst v63  }
.Ltmp2:
0x71: {  	_ = 	snop;
	(pc) =	sbr.rel .LBB2_2-.Ltmp2, $4  }
0x72: {  	_ = 	snop  }
0x73: {  	[tilespmem:s21], [sflag:$0x1] =	stream.indirect_vreg.gather [hbm4b:s6+s3], $0x80, v3, vm0, $0xb8;
	[tilespmem:$0x18400] =	vst v63  }
0x74: {  	s29 =	simm.s32 $0x0;
	s9 =	smov.u32 s28;
	s26 =	simm.s32 $0x50  }
0x75: {  	[tilespmem:s22], [sflag:$0x1] =	stream.indirect_vreg.gather [hbm4b:s7+s3], $0x80, v3, vm0, $0xb8;
	[tilespmem:$0x18400] =	vst v63  }
.LBB2_4:
0x76: {  	s29 =	sadd.s32 $0x1, s29  }
0x77: {  	p0 =	sne.s32 s29, $0x20  }
.Ltmp3:
0x78: {  	_ = 	snop;
	(pc) =	sbr.rel @!p0 .LBB2_5-.Ltmp3, $2  }
0x79: {  	_ =	sdelay $0x2  }
0x7a: {  	s26 =	sadd.s32 $0x20, s26;
	s9 =	sadd.s32 $0x1000, s9  }
.LBB2_2:
0x7b: {  	s30 =	smul.u32 $0xAB, s29;
	_ =	sdelay $0x1  }
0x7c: {  	s30 =	sshrl.u32 s30, $0x9  }
0x7d: {  	s30 =	sand.u32 $0x7F, s30  }
0x7e: {  	s30 =	smul.u32 $0x3, s30;
	_ =	sdelay $0x1  }
0x7f: {  	s30 =	ssub.s32 s29, s30  }
0x80: {  	_ =	swait.ge [sflag:s23], $0x8000;
	p0 =	seq.s32 s29, $0x0;
	s30 =	sand.u32 $0xFF, s30  }
0x81: {  	[sflag:s23] =	ssyncset.done $0x0;
	p1 =	sgt.u32 @!p0 s29, $0x1D;
	s30 =	sshll.u32 s30, $0xF  }
0x82: {  	[sflag:s23] =	ssyncadd.s32 $0xFFFF8000;
	p1 =	por p0, !p1;
	s30 =	sor.u32 $0x400, s30  }
0x83: {  	[hbm4b:s9+s3] =	stream.linear.scatter [tilespmem:s30], [sflag:$0x2], $0x8000, $0x38;
	[tilespmem:$0x18400] =	vst v63  }
.Ltmp4:
0x84: {  	_ = 	snop;
	(pc) =	sbr.rel @!p1 .LBB2_4-.Ltmp4, $4  }
0x85: {  	s30 =	simm.s32 @!p0 $0x2  }
0x86: {  	_ =	swait.ge @!p0 [sflag:s30], $0x8000  }
0x87: {  	[sflag:s30] =	ssyncset.done @!p0 $0x0  }
0x88: {  	[sflag:s30] =	ssyncadd.s32 @!p0 $0xFFFF8000  }
0x89: {  	v3 =	vld [tilespmem:s26+$0xFFFFFFF0];
	_ =	sdelay $0x3  }
0x8a: {  	s30 =	sadd.s32 $0x2, s29  }
0x8b: {  	s31 =	smul.u32 $0xAB, s30;
	v4 =	vshll.u32 v3, $0x3  }
0x8c: {  	v3 =	vand.u32 $0x7, v3;
	v4 =	vand.u32 $0xFFFFFFC0, v4  }
0x8d: {  	s31 =	sshrl.u32 s31, $0x9;
	v3 =	vor.u32 v3, v4  }
0x8e: {  	s31 =	sand.u32 $0x7F, s31;
	v4 =	vperm.xlane v3, v0  }
0x8f: {  	s31 =	smul.u32 $0x3, s31  }
0x90: {  	v4 =	vadd.s32 v1, v4  }
0x91: {  	s30 =	ssub.s32 s30, s31  }
0x92: {  	s30 =	sand.u32 $0xFF, s30  }
0x93: {  	s30 =	sshll.u32 s30, $0xF  }
0x94: {  	s31 =	sor.u32 $0x400, s30  }
0x95: {  	[tilespmem:s31], [sflag:$0x1] =	stream.indirect_vreg.gather [hbm4b:s1+s3], $0x80, v4, vm0, $0xb8;
	[tilespmem:$0x18400] =	vst v63  }
0x96: {  	v3 =	vperm.xlane v3, v2;
	s31 =	sor.u32 $0xC00, s30  }
0x97: {  	[tilespmem:s31], [sflag:$0x1] =	stream.indirect_vreg.gather [hbm4b:s5+s3], $0x80, v4, vm0, $0xb8;
	[tilespmem:$0x18400] =	vst v63  }
0x98: {  	v3 =	vadd.s32 v1, v3;
	s31 =	sor.u32 $0x1400, s30  }
0x99: {  	[tilespmem:s31], [sflag:$0x1] =	stream.indirect_vreg.gather [hbm4b:s6+s3], $0x80, v4, vm0, $0xb8;
	[tilespmem:$0x18400] =	vst v63  }
0x9a: {  	s31 =	sor.u32 $0x1C00, s30  }
0x9b: {  	[tilespmem:s31], [sflag:$0x1] =	stream.indirect_vreg.gather [hbm4b:s7+s3], $0x80, v4, vm0, $0xb8;
	[tilespmem:$0x18400] =	vst v63  }
0x9c: {  	s31 =	sor.u32 $0x2400, s30  }
0x9d: {  	[tilespmem:s31], [sflag:$0x1] =	stream.indirect_vreg.gather [hbm4b:s1+s3], $0x80, v3, vm0, $0xb8;
	[tilespmem:$0x18400] =	vst v63  }
0x9e: {  	s31 =	sor.u32 $0x2C00, s30  }
0x9f: {  	[tilespmem:s31], [sflag:$0x1] =	stream.indirect_vreg.gather [hbm4b:s5+s3], $0x80, v3, vm0, $0xb8;
	[tilespmem:$0x18400] =	vst v63  }
0xa0: {  	s31 =	sor.u32 $0x3400, s30  }
0xa1: {  	[tilespmem:s31], [sflag:$0x1] =	stream.indirect_vreg.gather [hbm4b:s6+s3], $0x80, v3, vm0, $0xb8;
	[tilespmem:$0x18400] =	vst v63  }
0xa2: {  	s31 =	sor.u32 $0x3C00, s30  }
0xa3: {  	[tilespmem:s31], [sflag:$0x1] =	stream.indirect_vreg.gather [hbm4b:s7+s3], $0x80, v3, vm0, $0xb8;
	[tilespmem:$0x18400] =	vst v63  }
0xa4: {  	v3 =	vld [tilespmem:s26+$0x0];
	_ =	sdelay $0x4  }
0xa5: {  	v63 =	vshll.u32 v3, $0x3  }
0xa6: {  	v3 =	vand.u32 $0x7, v3;
	v4 =	vand.u32 $0xFFFFFFC0, v63  }
0xa7: {  	v3 =	vor.u32 v3, v4  }
0xa8: {  	v4 =	vperm.xlane v3, v0;
	_ =	sdelay $0x1  }
0xa9: {  	v4 =	vadd.s32 v1, v4;
	_ =	sdelay $0x3  }
0xaa: {  	s31 =	sor.u32 $0x4400, s30  }
0xab: {  	[tilespmem:s31], [sflag:$0x1] =	stream.indirect_vreg.gather [hbm4b:s1+s3], $0x80, v4, vm0, $0xb8;
	[tilespmem:$0x18400] =	vst v63  }
0xac: {  	v3 =	vperm.xlane v3, v2;
	s31 =	sor.u32 $0x4C00, s30  }
0xad: {  	[tilespmem:s31], [sflag:$0x1] =	stream.indirect_vreg.gather [hbm4b:s5+s3], $0x80, v4, vm0, $0xb8;
	[tilespmem:$0x18400] =	vst v63  }
0xae: {  	v3 =	vadd.s32 v1, v3;
	s31 =	sor.u32 $0x5400, s30  }
0xaf: {  	[tilespmem:s31], [sflag:$0x1] =	stream.indirect_vreg.gather [hbm4b:s6+s3], $0x80, v4, vm0, $0xb8;
	[tilespmem:$0x18400] =	vst v63  }
0xb0: {  	s31 =	sor.u32 $0x5C00, s30  }
0xb1: {  	[tilespmem:s31], [sflag:$0x1] =	stream.indirect_vreg.gather [hbm4b:s7+s3], $0x80, v4, vm0, $0xb8;
	[tilespmem:$0x18400] =	vst v63  }
0xb2: {  	s31 =	sor.u32 $0x6400, s30  }
0xb3: {  	[tilespmem:s31], [sflag:$0x1] =	stream.indirect_vreg.gather [hbm4b:s1+s3], $0x80, v3, vm0, $0xb8;
	[tilespmem:$0x18400] =	vst v63  }
0xb4: {  	s31 =	sor.u32 $0x6C00, s30  }
0xb5: {  	[tilespmem:s31], [sflag:$0x1] =	stream.indirect_vreg.gather [hbm4b:s5+s3], $0x80, v3, vm0, $0xb8;
	[tilespmem:$0x18400] =	vst v63  }
.Ltmp5:
0xb6: {  	_ = 	snop;
	(pc) =	sbr.rel .LBB2_4-.Ltmp5, $4  }
0xb7: {  	s31 =	sor.u32 $0x7400, s30  }
0xb8: {  	[tilespmem:s31], [sflag:$0x1] =	stream.indirect_vreg.gather [hbm4b:s6+s3], $0x80, v3, vm0, $0xb8;
	[tilespmem:$0x18400] =	vst v63  }
0xb9: {  	s30 =	sor.u32 $0x7C00, s30  }
0xba: {  	[tilespmem:s30], [sflag:$0x1] =	stream.indirect_vreg.gather [hbm4b:s7+s3], $0x80, v3, vm0, $0xb8;
	[tilespmem:$0x18400] =	vst v63  }
.LBB2_6:
0xbb: {  	_ =	sfence.sel $0x180000  }
0xbc: {  	[bflag:$0x0] =	sbarrier.arrive $0xFFFF  }
0xbd: {  	_ =	strace $0x90000047  }
0xbe: {  	s0 =	stileid.u32;
	[bflag:$0x2] =	sbarrier.arrive $0xFFFF  }
0xbf: {  	p0 =	sne.s32 s0, $0x0;
	s0 =	rddreg [dreg:$0x3]  }
0xc0: {  	s0 =	sadd.s32 @!p0 $0x100000, s0  }
0xc1: {  	[sflag:s0] =	ssyncadd.tile.s32 @!p0 $0x1;
	_ =	shalt  }
.Lfunc_end2:
_tile_overlayer_lowered:
.L_overlay_start_2:
0xc2: {  	(tag) =	ssettag $0x2  }
0xc3: {  	s0 =	rddreg [dreg:$0x0];
	s2 =	stileid.u32  }
0xc4: {  	s1 =	rddreg [dreg:$0x1];
	p0 =	sne.s32 s2, $0x0  }
0xc5: {  	s3 =	rddreg [dreg:$0x2];
	[bflag:$0x3] =	sbarrier.arrive $0xFFFF;
	s2 =	simm.s32 @!p0 $0x1C03  }
0xc6: {  	[timem:s3], [sflag:s2] =	dma.local @!p0 [hbm:s0], s1  }
0xc7: {  	s0 =	simm.s32 @!p0 $0x3  }
0xc8: {  	_ =	swait.ge @!p0 [sflag:s0], s1  }
0xc9: {  	s1 =	ssub.s32 @!p0 $0x0, s1;
	[sflag:s0] =	ssyncset.done @!p0 $0x0  }
0xca: {  	[sflag:s0] =	ssyncadd.s32 @!p0 s1  }
0xcb: {  	[bflag:$0x3] =	sbarrier.arrive $0xFFFF  }
0xcc: {  	_ =	shalt  }

</sc_bundles>
